<compile_context>
chip_gen: v7x
topology: tpu7x:2x2x1
jax: 0.10.2.dev20260603
libtpu: 0.0.44.dev20260713+nightly
codegen_flags: <defaults>
</compile_context>

<pallas_src>
import jax
import jax.numpy as jnp
from jax.experimental import pallas as pl
from jax.experimental.pallas import tpu as pltpu

_B, _H, _W, _K, _C = 1, 384, 384, 4, 96
_ROWS = _B * _H * _W
_BLK = 1024


def _masked_copy(tex_ref, p_ref, o_ref):
    mask = p_ref[:, 0:1] >= 0
    o_ref[:, :] = jnp.where(mask, tex_ref[:, : _C], 0.0)


def kernel(texels, pix_to_face):
    tex2 = texels.reshape(_ROWS, _K * _C)
    pix2 = pix_to_face.reshape(_ROWS, _K)
    out = pl.pallas_call(
        _masked_copy,
        grid=(_ROWS // _BLK,),
        in_specs=[
            pl.BlockSpec((_BLK, 128), lambda i: (i, 0)),
            pl.BlockSpec((_BLK, _K), lambda i: (i, 0)),
        ],
        out_specs=pl.BlockSpec((_BLK, _C), lambda i: (i, 0)),
        out_shape=jax.ShapeDtypeStruct((_ROWS, _C), jnp.float32),
        compiler_params=pltpu.CompilerParams(
            dimension_semantics=("arbitrary",),
        ),
    )(tex2, pix2)
    return out.reshape(_B, _H, _W, _C)

# --- scband reference (transcript-rebuilt; emitter-appended) ---
"""Pipeline reference for scband-feature-shader-85753317032087 (READ-ONLY COPY).

The authoritative reference and input builder live on the scoring server;
editing this copy changes nothing except your own understanding.
"""

import jax, jax.numpy as jnp
import numpy as np

B, H, W, K, C = 1, 384, 384, 4, 96
N_FACES = 100000

def setup_inputs(seed: int = 0) -> dict:
    key = jax.random.key(seed)
    k1, k2 = jax.random.split(key)
    texels = jax.random.normal(k1, (B, H, W, K, C), dtype=jnp.float32)
    # pix_to_face: -1 marks background pixels (no face rasterized), >=0 are valid face ids
    pix_to_face = jax.random.randint(k2, (B, H, W, K), -1, N_FACES, dtype=jnp.int32)
    return {"texels": texels, "pix_to_face": pix_to_face}

def reference(texels, pix_to_face):
    # Faithful to: blended = zeros_like(texels); blended[pix_to_face >= 0] = texels[pix_to_face >= 0]
    valid = pix_to_face >= 0  # [B, H, W, K]
    blended_texels = jnp.where(valid[..., None], texels, jnp.zeros_like(texels))
    return blended_texels[:, :, :, 0, :]

if __name__ == "__main__":
    import jax
    _d = setup_inputs()
    print(jax.jit(kernel)(*tuple(_d.values())))

</pallas_src>

<mosaic_0001>
module attributes {stable_mosaic.version = 14 : i64} {
  func.func @_masked_copy(%arg0: i32, %arg1: memref<1024x128xf32, #tpu.memory_space<vmem>>, %arg2: memref<1024x4xi32, #tpu.memory_space<vmem>>, %arg3: memref<1024x96xf32, #tpu.memory_space<vmem>>) attributes {dimension_semantics = [#tpu.dimension_semantics<arbitrary>], iteration_bounds = array<i64: 144>, scalar_prefetch = 0 : i64, scratch_operands = 0 : i64, tpu.core_type = #tpu.core_type<tc>, window_params = [{transform_indices = @transform_0, window_bounds = array<i64: 1024, 128>}, {transform_indices = @transform_1, window_bounds = array<i64: 1024, 4>}, {transform_indices = @transform_2, window_bounds = array<i64: 1024, 96>}]} {
    %get3A = arith.constant 0 : index
    %get3A_0 = arith.constant 0 : index
    %get3A_1 = vector.load %arg2[%get3A, %get3A_0] : memref<1024x4xi32, #tpu.memory_space<vmem>>, vector<1024x1xi32>
    %ge3A = arith.constant 0 : i32
    %ge3A_2 = vector.broadcast %ge3A : i32 to vector<1024x1xi32>
    %ge3A_3 = arith.cmpi sge, %get3A_1, %ge3A_2 : vector<1024x1xi32>
    %get3A_4 = arith.constant 0 : index
    %get3A_5 = arith.constant 0 : index
    %get3A_6 = vector.load %arg1[%get3A_4, %get3A_5] : memref<1024x128xf32, #tpu.memory_space<vmem>>, vector<1024x96xf32>
    %jit3A = arith.constant 0.000000e+00 : f32
    %broadcast_in_dim3A = vector.shape_cast %ge3A_3 : vector<1024x1xi1> to vector<1024x1xi1>
    %broadcast_in_dim3A_7 = vector.broadcast %broadcast_in_dim3A : vector<1024x1xi1> to vector<1024x96xi1>
    %broadcast_in_dim3A_8 = vector.broadcast %jit3A : f32 to vector<1024x96xf32>
    %select_n3A = arith.select %broadcast_in_dim3A_7, %get3A_6, %broadcast_in_dim3A_8 : vector<1024x96xi1>, vector<1024x96xf32>
    %swap3A = arith.constant 0 : index
    %swap3A_9 = arith.constant 0 : index
    %swap3A_10 = vector.load %arg3[%swap3A, %swap3A_9] : memref<1024x96xf32, #tpu.memory_space<vmem>>, vector<1024x96xf32>
    tpu.vector_store %arg3[%swap3A, %swap3A_9], %select_n3A {strides = array<i32>} : memref<1024x96xf32, #tpu.memory_space<vmem>>, vector<1024x96xf32>,
    return
  }
  func.func @transform_0(%arg0: i32) -> (i32, i32) {
    %c0_i32 = arith.constant 0 : i32
    %c0_i32_0 = arith.constant 0 : i32
    return %arg0, %c0_i32 : i32, i32
  }
  func.func @transform_1(%arg0: i32) -> (i32, i32) {
    %c0_i32 = arith.constant 0 : i32
    %c0_i32_0 = arith.constant 0 : i32
    return %arg0, %c0_i32 : i32, i32
  }
  func.func @transform_2(%arg0: i32) -> (i32, i32) {
    %c0_i32 = arith.constant 0 : i32
    %c0_i32_0 = arith.constant 0 : i32
    return %arg0, %c0_i32 : i32, i32
  }
}

</mosaic_0001>

<sc_bundles>
// kernel: sparse-core-data-format-call.1.cloned.1.call-start
scs
called_computation.1_lowered:
.L_overlay_start_0:
0x0: {  	s2 =	sld [smem:$0x3FD9]  }
0x1: {  	s3 =	sld [smem:$0x3FFE];
	_ =	sdelay $0x1  }
0x2: {  	s1 =	srdreg.scid  }
0x3: {  	s0 =	sand.u32 $0x1, s1  }
0x4: {  	s18 =	sshll.u32 s0, $0xA;
	s2 =	sadd.s32 s3, s2  }
0x5: {  	s2 =	sadd.s32 s2, s18  }
0x6: {  	[smem:$0x3FC6] =	sst s2  }
0x7: {  	_ = 	snop  }
0x8: {  	s2 =	sld [smem:$0x3FC9];
	(tm) =	ssettm $0x1  }
0x9: {  	s19 =	sld [smem:$0x3FFB];
	_ =	sdelay $0x3  }
0xa: {  	_ =	strace s19  }
0xb: {  	s3 =	sld [smem:$0x3FFC];
	_ =	sdelay $0x3  }
0xc: {  	_ =	strace s3  }
0xd: {  	s3 =	sld [smem:$0x3FFD];
	_ =	sdelay $0x3  }
0xe: {  	_ =	strace s3  }
0xf: {  	_ =	strace $0x8FFFFFFF  }
0x10: {  	s20 =	sld [smem:$0x3FDB];
	_ =	sdelay $0x1  }
0x11: {  	s4 =	simm.s32 $_scs_section_size  }
0x12: {  	s5 =	simm.s32 $_size__tile_overlayer_lowered;
	s6 =	simm.s32 $_tile_overlayer_lowered  }
0x13: {  	s23 =	simm.s32 $0x1BFF;
	s22 =	sshll.u32 s6, $0x1;
	s3 =	sadd.s32 s4, s20  }
0x14: {  	s7 =	simm.s32 $0x0;
	s21 =	sshll.u32 s5, $0x1;
	s5 =	sadd.s32 s22, s3  }
0x15: {  	[timem:s7], [sflag:s23] =	dma.local [hbm:s5], s21  }
0x16: {  	_ =	swait.ge [sflag:s23], s21  }
0x17: {  	s4 =	ssub.s32 $0x0, s21;
	[sflag:s23] =	ssyncset.done $0x0  }
0x18: {  	[sflag:s23] =	ssyncadd.s32 s4;
	_ =	sdelay $0x1  }
0x19: {  	s24 =	simm.s32 $0x1B8B  }
0x1a: {  	_ =	swait.ge [sflag:s24], $0x1  }
0x1b: {  	[sflag:s24] =	ssyncset.done $0x0  }
0x1c: {  	s26 =	simm.s32 $0x1B8E;
	s25 =	sld [smem:$0x3FFE];
	[sflag:s24] =	ssyncadd.s32 $0xFFFFFFFF  }
0x1d: {  	s27 =	simm.s32 $execute0_lowered;
	[smem:$0x3FD2] =	sst s26  }
0x1e: {  	s5 =	sshll.u32 s27, $0x1;
	_ =	strace $0x80000046;
	[dreg:$0x1] =	wrdreg $0xFFFFFFFF  }
0x1f: {  	s28 =	simm.s32 $_size_execute0_lowered;
	s3 =	sadd.s32 s3, s5;
	[dreg:$0x0] =	wrdreg $0x0  }
0x20: {  	s5 =	sshll.u32 s28, $0x1;
	[dreg:$0x2] =	wrdreg s3  }
0x21: {  	[dreg:$0x3] =	wrdreg s5  }
0x22: {  	[dreg:$0x4] =	wrdreg $0xC0  }
0x23: {  	_ =	task [dreg:s7], $0x5FFFF  }
0x24: {  	[dreg:$0x1] =	wrdreg $0xFFFFFFFF  }
0x25: {  	[dreg:$0x0] =	wrdreg $0x60  }
0x26: {  	[dreg:$0x2] =	wrdreg s2  }
0x27: {  	[dreg:$0x3] =	wrdreg s25  }
0x28: {  	[dreg:$0x4] =	wrdreg $0x9  }
0x29: {  	_ =	task.clear_ibuf [dreg:s7], $0x5FFFF;
	_ =	strace $0x90000046  }
0x2a: {  	s29 =	simm.s32 $0x9;
	_ =	strace $0x80000048  }
0x2b: {  	_ =	swait.ge [sflag:s29], $0x1  }
0x2c: {  	[sflag:s29] =	ssyncadd.s32 $0xFFFFFFFF  }
0x2d: {  	_ =	strace $0x90000048  }
0x2e: {  	_ =	sfence  }
0x2f: {  	s30 =	sld [smem:$0x0];
	_ =	sdelay $0x2  }
0x30: {  	s31 =	sshll.u32 s1, $0xD;
	s1 =	sshrl.u32 s1, $0x2  }
0x31: {  	s3 =	sand.u32 $0x4000, s31;
	s1 =	sadd.s32 s1, s30  }
0x32: {  	s0 =	sor.u32 s3, s0;
	s1 =	sshll.u32 s1, $0x11  }
0x33: {  	s0 =	sor.u32 s1, s0  }
0x34: {  	s0 =	sadd.s32 $0x8F2B, s0  }
0x35: {  	[sflag:s0] =	ssyncadd.remote.s32 $0x1  }
0x36: {  	_ =	sfence.sel $0xFFFF  }
0x37: {  	[dreg:$0x0] =	wrdreg $0xFFFFFFFF;
	(pc) =	sbr.abs _section_cstart, $3  }
0x38: {  	[dreg:$0x1] =	wrdreg $0xFFFFFFFF  }
0x39: {  	_ =	task.clear_ibuf [dreg:s7], $0x2FFFF;
	_ =	strace $0x9FFFFFFF  }
0x3a: {  	(tm) =	ssettm $0x7FFFFFFF  }
0x3b: {  	_ =	shalt  }
tec
execute0_lowered:
.L_overlay_start_1:
0x0: {  	(tag) =	ssettag $0x1  }
0x1: {  	s2 =	rddreg [dreg:$0x0]  }
0x2: {  	s1 =	rddreg [dreg:$0x1]  }
0x3: {  	s0 =	rddreg [dreg:$0x2]  }
0x4: {  	s4 =	srdreg.scid;
	_ =	strace $0x80000047;
	s6 =	simm.s32 $0x2  }
0x5: {  	s14 =	simm.s32 $0x0;
	p0 =	por $0x0, $0x0;
	s7 =	simm.s32 $0x200  }
0x6: {  	s13 =	simm.s32 $0x0;
	s15 =	simm.s32 $0x0;
	s16 =	simm.s32 $0x0  }
.Ltmp0:
0x7: {  	s9 =	simm.s32 $0x0;
	s10 =	simm.s32 $0x0;
	(pc) =	sbr.rel .LBB1_1-.Ltmp0, $4  }
0x8: {  	s11 =	simm.s32 $0x0;
	s3 =	sadd.s32 $0xA00, s1;
	s4 =	sshll.u32 s4, $0x4  }
0x9: {  	s1 =	stileid.u32;
	s5 =	sand.u32 $0x10, s4;
	s4 =	simm.s32 $0x1  }
0xa: {  	s8 =	simm.s32 $0x0;
	s5 =	sor.u32 s1, s5;
	[sflag:s4] =	ssyncpa.u1 $0x0  }
0xb: {  	[sflag:s6] =	ssyncpa.u1 $0x0;
	s6 =	simm.s32 $0xC00;
	s12 =	smov.u32 s5  }
.LBB1_3:
0xc: {  	p1 =	seq.s32 s8, $0x0  }
0xd: {  	p2 =	seq.s32 @!p1 s8, $0x91  }
0xe: {  	p1 =	por p1, p2  }
.Ltmp1:
0xf: {  	_ = 	snop;
	(pc) =	sbr.rel @!p1 .LBB1_4-.Ltmp1, $1  }
0x10: {  	_ =	sdelay $0x3  }
.LBB1_7:
0x11: {  	s17 =	sadd.s32 $0x80, s9  }
0x12: {  	s13 =	sadd.s32 $0x80, s10;
	s18 =	smov.u32 s10;
	p2 =	sgt.s32 s17, $0x17F  }
0x13: {  	s18 =	smov.u32 @p2 s13  }
0x14: {  	s13 =	simm.s32 $0x1;
	p3 =	sgt.s32 s18, $0x5F  }
0x15: {  	s13 =	simm.s32 @!p3 $0x0  }
0x16: {  	s19 =	sadd.s32 s13, s11  }
0x17: {  	s20 =	smov.u32 s12;
	s13 =	sadd.s32 $0x20, s12;
	p4 =	sgt.s32 s19, $0x3  }
0x18: {  	p1 =	slt.u32 s8, $0x2;
	s20 =	smov.u32 @p4 s13  }
0x19: {  	s8 =	sadd.s32 $0x1, s8;
	s17 =	simm.s32 @p2 $0x0;
	p2 =	sgt.s32 s20, $0x17F  }
0x1a: {  	s14 =	smov.u32 s9;
	s20 =	smov.u32 @p2 s5;
	p2 =	sne.s32 s8, $0x92  }
.Ltmp2:
0x1b: {  	s15 =	smov.u32 s11;
	s21 =	simm.s32 @!p1 $0x2;
	(pc) =	sbr.rel @!p2 .LBB1_8-.Ltmp2, $4  }
0x1c: {  	s16 =	smov.u32 s12;
	p0 =	por !p0, !p0;
	_ =	swait.ge @!p1 [sflag:s21], $0x4000  }
0x1d: {  	[sflag:s21] =	ssyncset.done @!p1 $0x0;
	s9 =	smov.u32 s17;
	s18 =	simm.s32 @p3 $0x0  }
0x1e: {  	[sflag:s21] =	ssyncadd.s32 @!p1 $0xFFFFC000;
	s19 =	simm.s32 @p4 $0x0;
	s13 =	smov.u32 s10  }
0x1f: {  	s10 =	smov.u32 s18;
	s11 =	smov.u32 s19;
	s12 =	smov.u32 s20  }
.LBB1_1:
0x20: {  	p1 =	sgt.u32 s8, $0x8F  }
.Ltmp3:
0x21: {  	_ = 	snop;
	(pc) =	sbr.rel @p1 .LBB1_3-.Ltmp3, $1  }
0x22: {  	_ =	sdelay $0x3  }
0x23: {  	s17 =	sshrl.u32 s10, $0x3  }
0x24: {  	s18 =	sshll.u32 s9, $0x3;
	s17 =	smul.u32 $0xC00, s17  }
0x25: {  	s19 =	sshll.u32 s10, $0x7;
	s18 =	sand.u32 $0xFFFFFC00, s18  }
0x26: {  	s24 =	sand.u32 $0x380, s19;
	s17 =	sadd.s32 s17, s18  }
0x27: {  	s25 =	sand.u32 $0x7F, s9;
	s17 =	sor.u32 s24, s17  }
0x28: {  	p1 =	sgt.s32 s12, $0x17F;
	s20 =	smov.u32 s12;
	s18 =	sor.u32 s25, s17  }
0x29: {  	s21 =	sshra.s32 s12, $0x1F;
	s22 =	sxor.u32 $0xFFFFFFFF, s8;
	s19 =	smulhi.u32 $0xAAAAAAAB, s18  }
0x2a: {  	s28 =	sshra.s32 s11, $0x1F;
	s20 =	simm.s32 @!p1 $0x17F;
	s21 =	sand.u32 s21, s12  }
0x2b: {  	s23 =	sshra.s32 s10, $0x1F;
	s20 =	ssub.s32 s20, s21;
	s19 =	sshrl.u32 s19, $0x8  }
0x2c: {  	s31 =	sshra.s32 s9, $0x1F;
	s27 =	sadd.s32 $0xFFFFFE81, s20;
	s19 =	smul.u32 $0x180, s19  }
0x2d: {  	s26 =	sshll.u32 s22, $0xE;
	s22 =	sand.u32 s28, s11;
	p1 =	sgt.s32 s27, $0x0  }
0x2e: {  	s17 =	smulhi.u32 $0xAAAAAAAB, s17;
	s18 =	ssub.s32 s18, s19;
	s19 =	ssub.s32 $0x180, s20  }
0x2f: {  	s20 =	smov.u32 s11;
	s19 =	simm.s32 @p1 $0x0;
	p1 =	sgt.s32 s11, $0x3  }
0x30: {  	s23 =	sand.u32 s23, s10;
	s17 =	sshrl.u32 s17, $0x8;
	s20 =	simm.s32 @!p1 $0x3  }
0x31: {  	p1 =	sgt.s32 s10, $0xFFFFFFE0;
	s20 =	ssub.s32 s20, s22;
	s22 =	smov.u32 s10  }
0x32: {  	s29 =	smulhi.u32 $0x2AAAAAB, s17;
	s24 =	sadd.s32 $0xFFFFFFFD, s20;
	s22 =	simm.s32 @!p1 $0xFFFFFFE0  }
0x33: {  	s20 =	ssub.s32 $0x4, s20;
	p1 =	sgt.s32 s24, $0x0;
	s22 =	ssub.s32 s22, s23  }
0x34: {  	s23 =	smul.u32 $0x60, s29;
	s20 =	simm.s32 @p1 $0x0;
	s30 =	sadd.s32 $0x20, s22  }
0x35: {  	s19 =	smul.u32 s19, s20;
	p1 =	sgt.s32 s30, $0x7F;
	s20 =	ssub.s32 $0x60, s22  }
0x36: {  	s22 =	smov.u32 s9;
	s20 =	simm.s32 @p1 $0x0;
	p1 =	sgt.s32 s9, $0x100  }
0x37: {  	s27 =	smul.u32 $0x1200, s11;
	s24 =	sand.u32 s31, s9;
	s22 =	simm.s32 @!p1 $0x100  }
0x38: {  	s17 =	ssub.s32 s17, s23;
	s19 =	smul.u32 s20, s19;
	s25 =	ssub.s32 s22, s24  }
0x39: {  	s20 =	sand.u32 $0x4000, s26;
	s26 =	smul.u32 $0x4800, s12;
	s22 =	sadd.s32 $0xFFFFFF00, s25  }
0x3a: {  	s17 =	smul.u32 $0x30, s17;
	s21 =	ssub.s32 $0x180, s25;
	p1 =	sgt.s32 s22, $0x7F  }
.Ltmp4:
0x3b: {  	s23 =	sadd.s32 s2, s26;
	s21 =	simm.s32 @p1 $0x0;
	(pc) =	sbr.rel .LBB1_3-.Ltmp4, $4  }
0x3c: {  	s29 =	sand.u32 $0x7, s18;
	s28 =	sadd.s32 s27, s23;
	s19 =	smul.u32 s21, s19  }
0x3d: {  	s18 =	sshrl.u32 s18, $0x3;
	s30 =	sshll.u32 s29, $0x12;
	s17 =	sadd.s32 s17, s28  }
0x3e: {  	s31 =	sor.u32 $0x400, s30;
	s17 =	sadd.s32 s18, s17;
	s19 =	sand.u32 $0x3FFFFFFF, s19  }
0x3f: {  	[tilespmem:s20], [sflag:$0x1] =	stream.strided.gather [hbm4b:s17+s31], s19, s6, s31, $0x38;
	[tilespmem:$0x10100] =	vst v63  }
.LBB1_4:
0x40: {  	p1 =	sgt.s32 s16, $0x17F;
	s17 =	smov.u32 s16;
	s18 =	sshra.s32 s16, $0x1F  }
0x41: {  	s19 =	smov.u32 s15;
	s20 =	sshra.s32 s15, $0x1F;
	s25 =	sshra.s32 s13, $0x1F  }
0x42: {  	s17 =	simm.s32 @!p1 $0x17F;
	s18 =	sand.u32 s18, s16;
	p1 =	sgt.s32 s15, $0x3  }
0x43: {  	s23 =	sand.u32 s20, s15;
	s17 =	ssub.s32 s17, s18;
	s19 =	simm.s32 @!p1 $0x3  }
0x44: {  	s27 =	sshra.s32 s14, $0x1F;
	s24 =	sadd.s32 $0xFFFFFE81, s17;
	s18 =	ssub.s32 s19, s23  }
0x45: {  	s17 =	ssub.s32 $0x180, s17;
	p1 =	sgt.s32 s24, $0x0;
	s19 =	sadd.s32 $0xFFFFFFFD, s18  }
0x46: {  	s18 =	ssub.s32 $0x4, s18;
	s17 =	simm.s32 @p1 $0x0;
	p1 =	sgt.s32 s19, $0x0  }
0x47: {  	s19 =	smov.u32 s13;
	s18 =	simm.s32 @p1 $0x0;
	p1 =	sgt.s32 s13, $0xFFFFFFE0  }
0x48: {  	s26 =	sand.u32 s25, s13;
	s17 =	smul.u32 s17, s18;
	s19 =	simm.s32 @!p1 $0xFFFFFFE0  }
0x49: {  	p1 =	sgt.s32 s14, $0x100;
	s18 =	ssub.s32 s19, s26;
	s19 =	smov.u32 s14  }
0x4a: {  	s20 =	sand.u32 s27, s14;
	s21 =	sadd.s32 $0x20, s18;
	s19 =	simm.s32 @!p1 $0x100  }
0x4b: {  	s18 =	ssub.s32 $0x60, s18;
	p1 =	sgt.s32 s21, $0x7F;
	s19 =	ssub.s32 s19, s20  }
0x4c: {  	s18 =	simm.s32 @p1 $0x0;
	s20 =	sadd.s32 $0xFFFFFF00, s19  }
0x4d: {  	s17 =	smul.u32 s18, s17;
	p1 =	sgt.s32 s20, $0x7F;
	s18 =	ssub.s32 $0x180, s19  }
0x4e: {  	s18 =	simm.s32 @p1 $0x0  }
0x4f: {  	s17 =	smul.u32 s18, s17;
	_ =	sdelay $0x1  }
0x50: {  	s18 =	simm.s32 $0x1;
	s17 =	sand.u32 $0x3FFFFFFF, s17  }
0x51: {  	s18 =	simm.s32 @!p0 $0x0;
	_ =	swait.ge [sflag:s4], s17  }
0x52: {  	s28 =	sshll.u32 s18, $0xE;
	s17 =	ssub.s32 $0x0, s17;
	[sflag:s4] =	ssyncset.done $0x0  }
0x53: {  	s29 =	sor.u32 $0x40, s28;
	[sflag:s4] =	ssyncadd.s32 s17  }
0x54: {  	s30 =	smul.u32 $0x10200, s18;
	v0 =	vld [tilespmem:s29+$0x30]  }
0x55: {  	v3 =	vld [tilespmem:s29+$0xFFFFFFD0]  }
0x56: {  	s17 =	sshrl.u32 s30, $0x2;
	v4 =	vld [tilespmem:s29+$0xFFFFFFE0]  }
0x57: {  	s18 =	sor.u32 $0x8000, s17;
	v5 =	vld [tilespmem:s29+$0xFFFFFFF0]  }
0x58: {  	s31 =	sand.u32 $0x1, s8;
	v1 =	vld [tilespmem:s29+$0x0];
	s19 =	sadd.s32 $0x0, s18  }
0x59: {  	s17 =	smul.u32 $0x10200, s31;
	v2 =	vld [tilespmem:s29+$0x10];
	[tilespmem:s19+$0x3870 ss:$0x81] =	vst.msk $0xffff, v0  }
0x5a: {  	[tilespmem:s19+$0x810 ss:$0x81] =	vst.msk $0xffff, v3;
	v3 =	vld [tilespmem:s29+$0x20]  }
0x5b: {  	s20 =	sadd.s32 $0x80, s29;
	s17 =	sshrl.u32 s17, $0x2;
	v0 =	vld [tilespmem:s29+$0xFFFFFFC0];
	[tilespmem:s19+$0x1020 ss:$0x81] =	vst.msk $0xffff, v4  }
0x5c: {  	s22 =	simm.s32 $0x8;
	s21 =	simm.s32 $0x4;
	s17 =	sor.u32 $0x8000, s17;
	v4 =	vld [tilespmem:s20+$0x30];
	[tilespmem:s19+$0x1830 ss:$0x81] =	vst.msk $0xffff, v5  }
.LBB1_5:
0x5d: {  	p1 =	sne.s32 s22, $0x1FC;
	v5 =	vld [tilespmem:s20+$0xFFFFFFD0];
	[tilespmem:s19+$0x2040 ss:$0x81] =	vst.msk $0xffff, v1  }
0x5e: {  	v6 =	vld [tilespmem:s20+$0xFFFFFFE0];
	[tilespmem:s19+$0x2850 ss:$0x81] =	vst.msk $0xffff, v2  }
0x5f: {  	s23 =	sshra.s32 s21, $0x2;
	s21 =	smov.u32 s22;
	v7 =	vld [tilespmem:s20+$0xFFFFFFF0];
	[tilespmem:s19+$0x3060 ss:$0x81] =	vst.msk $0xffff, v3  }
.Ltmp5:
0x60: {  	v1 =	vld [tilespmem:s20+$0x0];
	[tilespmem:s19+$0x0 ss:$0x81] =	vst.msk $0xffff, v0;
	s19 =	sadd.s32 s23, s18;
	(pc) =	sbr.rel @p1 .LBB1_5-.Ltmp5, $4  }
0x61: {  	v2 =	vld [tilespmem:s20+$0x10];
	[tilespmem:s19+$0x3870 ss:$0x81] =	vst.msk $0xffff, v4  }
0x62: {  	[tilespmem:s19+$0x810 ss:$0x81] =	vst.msk $0xffff, v5;
	v3 =	vld [tilespmem:s20+$0x20]  }
0x63: {  	v0 =	vld [tilespmem:s20+$0xFFFFFFC0];
	[tilespmem:s19+$0x1020 ss:$0x81] =	vst.msk $0xffff, v6;
	s20 =	sadd.s32 $0x80, s20  }
0x64: {  	s22 =	sadd.s32 $0x4, s22;
	v4 =	vld [tilespmem:s20+$0x30];
	[tilespmem:s19+$0x1830 ss:$0x81] =	vst.msk $0xffff, v7  }
0x65: {  	v5 =	vld [tilespmem:s20+$0xFFFFFFD0];
	[tilespmem:s19+$0x2040 ss:$0x81] =	vst.msk $0xffff, v1  }
0x66: {  	v58 =	vld [tilespmem:s20+$0xFFFFFFE0];
	[tilespmem:s19+$0x2850 ss:$0x81] =	vst.msk $0xffff, v2  }
0x67: {  	s21 =	sshra.s32 s21, $0x2;
	v59 =	vld [tilespmem:s20+$0xFFFFFFF0];
	[tilespmem:s19+$0x3060 ss:$0x81] =	vst.msk $0xffff, v3  }
0x68: {  	v60 =	vld [tilespmem:s20+$0x0];
	s18 =	sadd.s32 s21, s18;
	[tilespmem:s19+$0x0 ss:$0x81] =	vst.msk $0xffff, v0  }
0x69: {  	v61 =	vld [tilespmem:s20+$0x10];
	[tilespmem:s18+$0x3870 ss:$0x81] =	vst.msk $0xffff, v4  }
0x6a: {  	v62 =	vld [tilespmem:s20+$0x20];
	[tilespmem:s18+$0x810 ss:$0x81] =	vst.msk $0xffff, v5  }
0x6b: {  	v63 =	vld [tilespmem:s20+$0xFFFFFFC0];
	s16 =	smul.u32 $0x6000, s16;
	[tilespmem:s18+$0x1020 ss:$0x81] =	vst.msk $0xffff, v58  }
0x6c: {  	s15 =	sshll.u32 s15, $0x4;
	s14 =	sshll.u32 s14, $0x6;
	[tilespmem:s18+$0x1830 ss:$0x81] =	vst.msk $0xffff, v59  }
.Ltmp6:
0x6d: {  	s15 =	sand.u32 $0x30, s15;
	s16 =	sadd.s32 s3, s16;
	[tilespmem:s18+$0x2040 ss:$0x81] =	vst.msk $0xffff, v60;
	(pc) =	sbr.rel .LBB1_7-.Ltmp6, $4  }
0x6e: {  	s29 =	sshrl.u32 s13, $0x3;
	s30 =	sand.u32 $0x7, s13;
	s15 =	sadd.s32 s15, s16;
	[tilespmem:s18+$0x2850 ss:$0x81] =	vst.msk $0xffff, v61  }
0x6f: {  	s31 =	sand.u32 $0xF, s29;
	s13 =	sshll.u32 s30, $0x12;
	s14 =	sadd.s32 s14, s15;
	[tilespmem:s18+$0x3060 ss:$0x81] =	vst.msk $0xffff, v62  }
0x70: {  	s13 =	sor.u32 $0x80, s13;
	[tilespmem:s18+$0x0 ss:$0x81] =	vst.msk $0xffff, v63;
	s14 =	sadd.s32 s31, s14  }
0x71: {  	[hbm4b:s14+s13] =	stream.strided.scatter [tilespmem:s17], [sflag:$0x2], $0x4000, s7, s13, $0x20;
	[tilespmem:$0x10100] =	vst v63  }
.LBB1_8:
0x72: {  	_ =	sfence.sel $0x180000  }
0x73: {  	s2 =	simm.s32 $0x1;
	[bflag:$0x0] =	sbarrier.arrive $0xFFFF  }
0x74: {  	s31 =	simm.s32 $0x2;
	[sflag:s2] =	ssyncpa.u1 $0x1  }
0x75: {  	[sflag:s31] =	ssyncpa.u1 $0x1  }
0x76: {  	p0 =	sne.s32 s1, $0x0;
	_ =	strace $0x90000047  }
0x77: {  	s0 =	sadd.s32 @!p0 $0x100000, s0;
	[bflag:$0x2] =	sbarrier.arrive $0xFFFF  }
0x78: {  	[sflag:s0] =	ssyncadd.tile.s32 @!p0 $0x1;
	_ =	shalt  }
.Lfunc_end1:
_tile_overlayer_lowered:
.L_overlay_start_2:
0x79: {  	(tag) =	ssettag $0x2  }
0x7a: {  	s0 =	rddreg [dreg:$0x0];
	s2 =	stileid.u32  }
0x7b: {  	s1 =	rddreg [dreg:$0x1];
	p0 =	sne.s32 s2, $0x0  }
0x7c: {  	s3 =	rddreg [dreg:$0x2];
	[bflag:$0x3] =	sbarrier.arrive $0xFFFF;
	s2 =	simm.s32 @!p0 $0x1C01  }
0x7d: {  	[timem:s3], [sflag:s2] =	dma.local @!p0 [hbm:s0], s1  }
0x7e: {  	s0 =	simm.s32 @!p0 $0x1  }
0x7f: {  	_ =	swait.ge @!p0 [sflag:s0], s1  }
0x80: {  	s1 =	ssub.s32 @!p0 $0x0, s1;
	[sflag:s0] =	ssyncset.done @!p0 $0x0  }
0x81: {  	[sflag:s0] =	ssyncadd.s32 @!p0 s1  }
0x82: {  	[bflag:$0x3] =	sbarrier.arrive $0xFFFF  }
0x83: {  	_ =	shalt  }

// kernel: sparse-core-data-format-call.cloned.1.call-start
scs
called_computation_lowered:
.L_overlay_start_0:
0x0: {  	s2 =	sld [smem:$0x3FD9]  }
0x1: {  	s3 =	sld [smem:$0x3FFE];
	_ =	sdelay $0x1  }
0x2: {  	s1 =	srdreg.scid  }
0x3: {  	s0 =	sand.u32 $0x1, s1  }
0x4: {  	s18 =	sshll.u32 s0, $0xA;
	s2 =	sadd.s32 s3, s2  }
0x5: {  	s2 =	sadd.s32 s2, s18  }
0x6: {  	[smem:$0x3FC6] =	sst s2  }
0x7: {  	_ = 	snop  }
0x8: {  	s2 =	sld [smem:$0x3FD0];
	(tm) =	ssettm $0x1  }
0x9: {  	s19 =	sld [smem:$0x3FFB];
	_ =	sdelay $0x3  }
0xa: {  	_ =	strace s19  }
0xb: {  	s3 =	sld [smem:$0x3FFC];
	_ =	sdelay $0x3  }
0xc: {  	_ =	strace s3  }
0xd: {  	s3 =	sld [smem:$0x3FFD];
	_ =	sdelay $0x3  }
0xe: {  	_ =	strace s3  }
0xf: {  	_ =	strace $0x8FFFFFFF  }
0x10: {  	s20 =	sld [smem:$0x3FDB];
	_ =	sdelay $0x1  }
0x11: {  	s4 =	simm.s32 $_scs_section_size  }
0x12: {  	s5 =	simm.s32 $_size__tile_overlayer_lowered;
	s6 =	simm.s32 $_tile_overlayer_lowered  }
0x13: {  	s23 =	simm.s32 $0x1BFF;
	s22 =	sshll.u32 s6, $0x1;
	s3 =	sadd.s32 s4, s20  }
0x14: {  	s7 =	simm.s32 $0x0;
	s21 =	sshll.u32 s5, $0x1;
	s5 =	sadd.s32 s22, s3  }
0x15: {  	[timem:s7], [sflag:s23] =	dma.local [hbm:s5], s21  }
0x16: {  	_ =	swait.ge [sflag:s23], s21  }
0x17: {  	s4 =	ssub.s32 $0x0, s21;
	[sflag:s23] =	ssyncset.done $0x0  }
0x18: {  	[sflag:s23] =	ssyncadd.s32 s4;
	_ =	sdelay $0x1  }
0x19: {  	s24 =	simm.s32 $0x1B8B  }
0x1a: {  	_ =	swait.ge [sflag:s24], $0x1  }
0x1b: {  	[sflag:s24] =	ssyncset.done $0x0  }
0x1c: {  	s26 =	simm.s32 $0x1B8E;
	s25 =	sld [smem:$0x3FFE];
	[sflag:s24] =	ssyncadd.s32 $0xFFFFFFFF  }
0x1d: {  	s27 =	simm.s32 $execute0_lowered;
	[smem:$0x3FD2] =	sst s26  }
0x1e: {  	s5 =	sshll.u32 s27, $0x1;
	_ =	strace $0x80000049;
	[dreg:$0x1] =	wrdreg $0xFFFFFFFF  }
0x1f: {  	s28 =	simm.s32 $_size_execute0_lowered;
	s3 =	sadd.s32 s3, s5;
	[dreg:$0x0] =	wrdreg $0x0  }
0x20: {  	s5 =	sshll.u32 s28, $0x1;
	[dreg:$0x2] =	wrdreg s3  }
0x21: {  	[dreg:$0x3] =	wrdreg s5  }
0x22: {  	[dreg:$0x4] =	wrdreg $0xC0  }
0x23: {  	_ =	task [dreg:s7], $0x5FFFF  }
0x24: {  	[dreg:$0x1] =	wrdreg $0xFFFFFFFF  }
0x25: {  	[dreg:$0x0] =	wrdreg $0x60  }
0x26: {  	[dreg:$0x2] =	wrdreg s25  }
0x27: {  	[dreg:$0x3] =	wrdreg s2  }
0x28: {  	[dreg:$0x4] =	wrdreg $0x9  }
0x29: {  	_ =	task.clear_ibuf [dreg:s7], $0x5FFFF;
	_ =	strace $0x90000049  }
0x2a: {  	s29 =	simm.s32 $0x9;
	_ =	strace $0x8000004B  }
0x2b: {  	_ =	swait.ge [sflag:s29], $0x1  }
0x2c: {  	[sflag:s29] =	ssyncadd.s32 $0xFFFFFFFF  }
0x2d: {  	_ =	strace $0x9000004B  }
0x2e: {  	_ =	sfence  }
0x2f: {  	s30 =	sld [smem:$0x0];
	_ =	sdelay $0x2  }
0x30: {  	s31 =	sshll.u32 s1, $0xD;
	s1 =	sshrl.u32 s1, $0x2  }
0x31: {  	s3 =	sand.u32 $0x4000, s31;
	s1 =	sadd.s32 s1, s30  }
0x32: {  	s0 =	sor.u32 s3, s0;
	s1 =	sshll.u32 s1, $0x11  }
0x33: {  	s0 =	sor.u32 s1, s0  }
0x34: {  	s0 =	sadd.s32 $0x8F2B, s0  }
0x35: {  	[sflag:s0] =	ssyncadd.remote.s32 $0x1  }
0x36: {  	_ =	sfence.sel $0xFFFF  }
0x37: {  	[dreg:$0x0] =	wrdreg $0xFFFFFFFF;
	(pc) =	sbr.abs _section_cstart, $3  }
0x38: {  	[dreg:$0x1] =	wrdreg $0xFFFFFFFF  }
0x39: {  	_ =	task.clear_ibuf [dreg:s7], $0x2FFFF;
	_ =	strace $0x9FFFFFFF  }
0x3a: {  	(tm) =	ssettm $0x7FFFFFFF  }
0x3b: {  	_ =	shalt  }
tec
execute0_lowered:
.L_overlay_start_1:
0x0: {  	(tag) =	ssettag $0x1  }
0x1: {  	s1 =	rddreg [dreg:$0x0]  }
0x2: {  	s2 =	rddreg [dreg:$0x1]  }
0x3: {  	s0 =	rddreg [dreg:$0x2]  }
0x4: {  	s4 =	srdreg.scid;
	_ =	strace $0x8000004A;
	s6 =	simm.s32 $0x2  }
0x5: {  	s12 =	simm.s32 $0x0;
	p0 =	por $0x0, $0x0;
	s13 =	simm.s32 $0x0  }
.Ltmp0:
0x6: {  	s8 =	simm.s32 $0x0;
	s9 =	simm.s32 $0x0;
	(pc) =	sbr.rel .LBB1_1-.Ltmp0, $4  }
0x7: {  	s10 =	simm.s32 $0x0;
	s3 =	sadd.s32 $0xA00, s1;
	s4 =	sshll.u32 s4, $0x4  }
0x8: {  	s1 =	stileid.u32;
	s5 =	sand.u32 $0x10, s4;
	s4 =	simm.s32 $0x1  }
0x9: {  	s7 =	simm.s32 $0x0;
	s5 =	sor.u32 s1, s5;
	[sflag:s4] =	ssyncpa.u1 $0x0  }
0xa: {  	[sflag:s6] =	ssyncpa.u1 $0x0;
	s6 =	simm.s32 $0xC00;
	s11 =	smov.u32 s5  }
.LBB1_5:
0xb: {  	p1 =	slt.u32 s7, $0x2  }
0xc: {  	s15 =	smov.u32 s13;
	p2 =	sgt.s32 @!p1 s13, $0x17F;
	s14 =	sshra.s32 @!p1 s13, $0x1F  }
0xd: {  	p3 =	sgt.s32 @!p1 s12, $0x100;
	s16 =	sshra.s32 @!p1 s12, $0x1F;
	p2 =	por !p2, p1  }
0xe: {  	s13 =	sand.u32 @!p1 s14, s13;
	p3 =	por !p3, p1;
	s14 =	smov.u32 s12  }
0xf: {  	s12 =	sand.u32 @!p1 s16, s12;
	s15 =	simm.s32 @p2 $0x17F;
	s14 =	simm.s32 @p3 $0x100  }
0x10: {  	s16 =	smov.u32 s11;
	s13 =	ssub.s32 @!p1 s15, s13;
	s12 =	ssub.s32 @!p1 s14, s12  }
0x11: {  	s14 =	sadd.s32 @!p1 $0xFFFFFE81, s13;
	s13 =	ssub.s32 @!p1 $0x180, s13;
	s15 =	sadd.s32 @!p1 $0xFFFFFF00, s12  }
0x12: {  	p2 =	sgt.s32 @!p1 s14, $0x0;
	s13 =	smul.u32 @!p1 $0x60, s13;
	p3 =	sgt.s32 @!p1 s15, $0x7F  }
0x13: {  	s12 =	ssub.s32 @!p1 $0x180, s12;
	p2 =	por !p2, p1;
	p3 =	por !p3, p1  }
0x14: {  	s14 =	sadd.s32 $0x80, s10;
	s13 =	simm.s32 @!p2 $0x0;
	s12 =	simm.s32 @!p3 $0x0  }
0x15: {  	p2 =	sgt.s32 s14, $0x17F;
	s12 =	smul.u32 @!p1 s12, s13;
	s13 =	sadd.s32 $0x20, s11  }
0x16: {  	s16 =	smov.u32 @p2 s13  }
0x17: {  	s7 =	sadd.s32 $0x1, s7;
	s14 =	simm.s32 @p2 $0x0;
	p2 =	sgt.s32 s16, $0x17F  }
0x18: {  	s16 =	smov.u32 @p2 s5;
	p2 =	sne.s32 s7, $0x26  }
.Ltmp1:
0x19: {  	p0 =	por !p0, !p0;
	(pc) =	sbr.rel @!p2 .LBB1_6-.Ltmp1, $4  }
0x1a: {  	s15 =	simm.s32 @!p1 $0x2;
	s13 =	smov.u32 s9;
	s12 =	sand.u32 @!p1 $0x3FFFFFE0, s12  }
0x1b: {  	s9 =	smov.u32 s11;
	_ =	swait.ge @!p1 [sflag:s15], s12;
	s17 =	ssub.s32 @!p1 $0x0, s12  }
0x1c: {  	s12 =	smov.u32 s8;
	s8 =	smov.u32 s10;
	[sflag:s15] =	ssyncset.done @!p1 $0x0  }
0x1d: {  	s10 =	smov.u32 s14;
	s11 =	smov.u32 s16;
	[sflag:s15] =	ssyncadd.s32 @!p1 s17  }
.LBB1_1:
0x1e: {  	p1 =	sgt.u32 s7, $0x23  }
0x1f: {  	s14 =	sand.u32 @!p1 $0x1FFFFFF, s10  }
0x20: {  	s15 =	smulhi.u32 @!p1 $0xAAAAAB, s14;
	_ =	sdelay $0x1  }
0x21: {  	s15 =	smul.u32 @!p1 $0x180, s15  }
0x22: {  	s16 =	smul.u32 @!p1 $0x1800, s11  }
0x23: {  	s14 =	ssub.s32 @!p1 s14, s15;
	s15 =	sxor.u32 @!p1 $0xFFFFFFFF, s7  }
0x24: {  	s16 =	sadd.s32 @!p1 s3, s16;
	s15 =	sshll.u32 @!p1 s15, $0xE;
	s14 =	sshll.u32 @!p1 s14, $0x4  }
0x25: {  	s15 =	sand.u32 @!p1 $0x4000, s15;
	s14 =	sadd.s32 @!p1 s14, s16;
	s16 =	simm.s32 @!p1 $0x0  }
0x26: {  	[tilespmem:s15], [sflag:$0x1] =	stream.linear.gather @!p1 [hbm4b:s14+s16], $0x4000, $0x38;
	[tilespmem:$0x10100] =	vst v63  }
0x27: {  	p1 =	seq.s32 s7, $0x0  }
0x28: {  	p2 =	seq.s32 @!p1 s7, $0x25  }
0x29: {  	p1 =	por p1, p2  }
.Ltmp2:
0x2a: {  	_ = 	snop;
	(pc) =	sbr.rel @p1 .LBB1_5-.Ltmp2, $1  }
0x2b: {  	_ =	sdelay $0x3  }
0x2c: {  	s14 =	simm.s32 $0x1  }
0x2d: {  	_ =	swait.ge [sflag:s4], $0x4000;
	s14 =	simm.s32 @!p0 $0x0  }
0x2e: {  	[sflag:s4] =	ssyncset.done $0x0;
	s15 =	sshll.u32 s14, $0xE  }
0x2f: {  	[sflag:s4] =	ssyncadd.s32 $0xFFFFC000;
	s15 =	sor.u32 $0x40, s15  }
0x30: {  	s14 =	smul.u32 $0x10200, s14;
	v0 =	vld [tilespmem:s15+$0x30]  }
0x31: {  	v1 =	vld [tilespmem:s15+$0xFFFFFFD0]  }
0x32: {  	s14 =	sshrl.u32 s14, $0x2;
	v5 =	vld [tilespmem:s15+$0xFFFFFFE0]  }
0x33: {  	v6 =	vld [tilespmem:s15+$0xFFFFFFF0];
	s17 =	sor.u32 $0x8000, s14  }
0x34: {  	s31 =	sand.u32 $0x1, s7;
	v4 =	vld [tilespmem:s15+$0x0];
	s16 =	sadd.s32 $0x0, s17  }
0x35: {  	v3 =	vld [tilespmem:s15+$0x10];
	s14 =	smul.u32 $0x10200, s31;
	[tilespmem:s16+$0x3870 ss:$0x81] =	vst.msk $0xffff, v0  }
0x36: {  	v2 =	vld [tilespmem:s15+$0x20];
	[tilespmem:s16+$0x810 ss:$0x81] =	vst.msk $0xffff, v1  }
0x37: {  	s14 =	sshrl.u32 s14, $0x2;
	v1 =	vld [tilespmem:s15+$0xFFFFFFC0];
	[tilespmem:s16+$0x1020 ss:$0x81] =	vst.msk $0xffff, v5;
	s15 =	sadd.s32 $0x80, s15  }
0x38: {  	s18 =	simm.s32 $0x4;
	s19 =	simm.s32 $0x8;
	s14 =	sor.u32 $0x8000, s14;
	[tilespmem:s16+$0x1830 ss:$0x81] =	vst.msk $0xffff, v6;
	v0 =	vld [tilespmem:s15+$0x30]  }
.LBB1_3:
0x39: {  	p1 =	sne.s32 s19, $0x1FC;
	v5 =	vld [tilespmem:s15+$0xFFFFFFD0];
	[tilespmem:s16+$0x2040 ss:$0x81] =	vst.msk $0xffff, v4  }
0x3a: {  	v6 =	vld [tilespmem:s15+$0xFFFFFFE0];
	[tilespmem:s16+$0x2850 ss:$0x81] =	vst.msk $0xffff, v3  }
0x3b: {  	s20 =	sshra.s32 s18, $0x2;
	s18 =	smov.u32 s19;
	v7 =	vld [tilespmem:s15+$0xFFFFFFF0];
	[tilespmem:s16+$0x3060 ss:$0x81] =	vst.msk $0xffff, v2  }
.Ltmp3:
0x3c: {  	v4 =	vld [tilespmem:s15+$0x0];
	[tilespmem:s16+$0x0 ss:$0x81] =	vst.msk $0xffff, v1;
	s16 =	sadd.s32 s20, s17;
	(pc) =	sbr.rel @p1 .LBB1_3-.Ltmp3, $4  }
0x3d: {  	v3 =	vld [tilespmem:s15+$0x10];
	[tilespmem:s16+$0x3870 ss:$0x81] =	vst.msk $0xffff, v0  }
0x3e: {  	[tilespmem:s16+$0x810 ss:$0x81] =	vst.msk $0xffff, v5;
	v2 =	vld [tilespmem:s15+$0x20]  }
0x3f: {  	v1 =	vld [tilespmem:s15+$0xFFFFFFC0];
	[tilespmem:s16+$0x1020 ss:$0x81] =	vst.msk $0xffff, v6;
	s15 =	sadd.s32 $0x80, s15  }
0x40: {  	s19 =	sadd.s32 $0x4, s19;
	v0 =	vld [tilespmem:s15+$0x30];
	[tilespmem:s16+$0x1830 ss:$0x81] =	vst.msk $0xffff, v7  }
0x41: {  	s19 =	sshll.u32 s8, $0x3;
	s20 =	sand.u32 $0x7F, s8;
	s18 =	sshra.s32 s18, $0x2  }
0x42: {  	p1 =	sgt.s32 s9, $0x17F;
	s22 =	smov.u32 s9;
	s23 =	sshra.s32 s9, $0x1F  }
0x43: {  	s31 =	sshra.s32 s8, $0x1F;
	s27 =	smul.u32 $0x1200, s9;
	s19 =	sand.u32 $0xFFFFFC00, s19  }
0x44: {  	s22 =	simm.s32 @!p1 $0x17F;
	s20 =	sor.u32 s20, s19;
	s19 =	smulhi.u32 $0xAAAAAAAB, s19  }
0x45: {  	v5 =	vld [tilespmem:s15+$0xFFFFFFD0];
	[tilespmem:s16+$0x2040 ss:$0x81] =	vst.msk $0xffff, v4;
	s23 =	sand.u32 s23, s9;
	s17 =	sadd.s32 s18, s17;
	p1 =	sgt.s32 s8, $0x100  }
0x46: {  	v58 =	vld [tilespmem:s15+$0xFFFFFFE0];
	[tilespmem:s16+$0x2850 ss:$0x81] =	vst.msk $0xffff, v3;
	s28 =	ssub.s32 s22, s23;
	s21 =	smulhi.u32 $0xAAAAAAAB, s20;
	s19 =	sshrl.u32 s19, $0x8  }
0x47: {  	v59 =	vld [tilespmem:s15+$0xFFFFFFF0];
	s18 =	smov.u32 s8;
	[tilespmem:s16+$0x3060 ss:$0x81] =	vst.msk $0xffff, v2;
	s30 =	ssub.s32 $0x180, s28;
	s24 =	smulhi.u32 $0x2AAAAAB, s19  }
0x48: {  	v60 =	vld [tilespmem:s15+$0x0];
	s18 =	simm.s32 @!p1 $0x100;
	s23 =	sadd.s32 $0xFFFFFE81, s28;
	[tilespmem:s16+$0x0 ss:$0x81] =	vst.msk $0xffff, v1;
	s16 =	smul.u32 $0x60, s30  }
0x49: {  	v61 =	vld [tilespmem:s15+$0x10];
	[tilespmem:s17+$0x3870 ss:$0x81] =	vst.msk $0xffff, v0;
	s21 =	sshrl.u32 s21, $0x8;
	s29 =	smul.u32 $0x60, s24;
	s24 =	sand.u32 s31, s8  }
0x4a: {  	v62 =	vld [tilespmem:s15+$0x20];
	p1 =	sgt.s32 s23, $0x0;
	[tilespmem:s17+$0x810 ss:$0x81] =	vst.msk $0xffff, v5;
	s21 =	smul.u32 $0x180, s21;
	s18 =	ssub.s32 s18, s24  }
0x4b: {  	v63 =	vld [tilespmem:s15+$0xFFFFFFC0];
	[tilespmem:s17+$0x1020 ss:$0x81] =	vst.msk $0xffff, v58;
	s16 =	simm.s32 @p1 $0x0;
	s25 =	ssub.s32 s19, s29;
	s26 =	sadd.s32 $0xFFFFFF00, s18  }
0x4c: {  	[tilespmem:s17+$0x1830 ss:$0x81] =	vst.msk $0xffff, v59;
	s18 =	ssub.s32 $0x180, s18;
	p1 =	sgt.s32 s26, $0x7F;
	s15 =	smul.u32 $0x30, s25  }
.Ltmp4:
0x4d: {  	[tilespmem:s17+$0x2040 ss:$0x81] =	vst.msk $0xffff, v60;
	s20 =	ssub.s32 s20, s21;
	s18 =	simm.s32 @p1 $0x0;
	(pc) =	sbr.rel .LBB1_5-.Ltmp4, $4  }
0x4e: {  	s28 =	sadd.s32 s2, s27;
	[tilespmem:s17+$0x2850 ss:$0x81] =	vst.msk $0xffff, v61;
	s29 =	sand.u32 $0x7, s20;
	s16 =	smul.u32 s18, s16  }
0x4f: {  	[tilespmem:s17+$0x3060 ss:$0x81] =	vst.msk $0xffff, v62;
	s30 =	sshrl.u32 s20, $0x3;
	s19 =	sshll.u32 s29, $0x12;
	s15 =	sadd.s32 s15, s28  }
0x50: {  	[tilespmem:s17+$0x0 ss:$0x81] =	vst.msk $0xffff, v63;
	s31 =	sor.u32 $0x400, s19;
	s15 =	sadd.s32 s30, s15;
	s16 =	sand.u32 $0x3FFFFFE0, s16  }
0x51: {  	[hbm4b:s15+s31] =	stream.strided.scatter [tilespmem:s14], [sflag:$0x2], s16, s6, s31, $0x20;
	[tilespmem:$0x10100] =	vst v63  }
.LBB1_6:
0x52: {  	_ =	sfence.sel $0x180000  }
0x53: {  	s2 =	simm.s32 $0x1;
	[bflag:$0x0] =	sbarrier.arrive $0xFFFF  }
0x54: {  	s31 =	simm.s32 $0x2;
	[sflag:s2] =	ssyncpa.u1 $0x1  }
0x55: {  	[sflag:s31] =	ssyncpa.u1 $0x1  }
0x56: {  	p0 =	sne.s32 s1, $0x0;
	_ =	strace $0x9000004A  }
0x57: {  	s0 =	sadd.s32 @!p0 $0x100000, s0;
	[bflag:$0x2] =	sbarrier.arrive $0xFFFF  }
0x58: {  	[sflag:s0] =	ssyncadd.tile.s32 @!p0 $0x1;
	_ =	shalt  }
.Lfunc_end1:
_tile_overlayer_lowered:
.L_overlay_start_2:
0x59: {  	(tag) =	ssettag $0x2  }
0x5a: {  	s0 =	rddreg [dreg:$0x0];
	s2 =	stileid.u32  }
0x5b: {  	s1 =	rddreg [dreg:$0x1];
	p0 =	sne.s32 s2, $0x0  }
0x5c: {  	s3 =	rddreg [dreg:$0x2];
	[bflag:$0x3] =	sbarrier.arrive $0xFFFF;
	s2 =	simm.s32 @!p0 $0x1C01  }
0x5d: {  	[timem:s3], [sflag:s2] =	dma.local @!p0 [hbm:s0], s1  }
0x5e: {  	s0 =	simm.s32 @!p0 $0x1  }
0x5f: {  	_ =	swait.ge @!p0 [sflag:s0], s1  }
0x60: {  	s1 =	ssub.s32 @!p0 $0x0, s1;
	[sflag:s0] =	ssyncset.done @!p0 $0x0  }
0x61: {  	[sflag:s0] =	ssyncadd.s32 @!p0 s1  }
0x62: {  	[bflag:$0x3] =	sbarrier.arrive $0xFFFF  }
0x63: {  	_ =	shalt  }

</sc_bundles>
